<compile_context>
chip_gen: v7x
topology: tpu7x:2x2x1
jax: 0.10.2.dev20260603
libtpu: 0.0.44.dev20260713+nightly
codegen_flags: <defaults>
</compile_context>

<pallas_src>
import dataclasses
import functools

import jax
import jax.numpy as jnp
from jax import lax
from jax.experimental import pallas as pl
from jax.experimental.pallas import tpu as pltpu
from jax.experimental.pallas import tpu_sc as plsc

N = 10000
E = 320000
H = 128
NRBF = 50
NBLK = 3
CUTOFF = 5.0

EB = 5000

SC_CORES = 2
SC_SUBCORES = 16
SC_TILES = SC_CORES * SC_SUBCORES
CHUNK = 128
NCHUNK = E // CHUNK
ROWS_PER_SUB = N // SC_SUBCORES
ZCH = 400


def _sc_mesh():
    return plsc.VectorSubcoreMesh(core_axis_name="c", subcore_axis_name="s")


def _sc_compiler_params():
    cp = pltpu.CompilerParams()
    if "needs_layout_passes" in pltpu.CompilerParams.__dataclass_fields__:
        cp = dataclasses.replace(cp, needs_layout_passes=False)
    return cp


@jax.jit
def _sc_scatter_add(msg, dst, zeros):

    @functools.partial(
        pl.kernel,
        mesh=_sc_mesh(),
        out_type=jax.ShapeDtypeStruct((SC_CORES, N, H), jnp.float32),
        scratch_types=[
            pltpu.VMEM_SHARED((N, H), jnp.float32),
            pltpu.VMEM((1, CHUNK), jnp.int32),
            pltpu.VMEM((CHUNK, H), jnp.float32),
        ],
    )
    def k(msg_hbm, dst_hbm, zeros_hbm, out_hbm, shared, idx_v, msg_v):
        c = lax.axis_index("c")
        s = lax.axis_index("s")
        wid = s * SC_CORES + c

        nzc = N // ZCH

        @pl.loop(0, (nzc + SC_SUBCORES - 1) // SC_SUBCORES)
        def _(k):
            zc = s + k * SC_SUBCORES

            @pl.when(zc < nzc)
            def _():
                pltpu.sync_copy(zeros_hbm.at[pl.ds(zc * ZCH, ZCH)],
                                shared.at[pl.ds(zc * ZCH, ZCH)])

        plsc.subcore_barrier()

        nfull = NCHUNK // SC_TILES

        @pl.loop(0, nfull + 1)
        def _(i):
            cid = wid + i * SC_TILES

            @pl.when(cid < NCHUNK)
            def _():
                base = cid * CHUNK
                pltpu.sync_copy(dst_hbm.at[pl.ds(base, CHUNK)], idx_v.at[0])
                pltpu.sync_copy(msg_hbm.at[pl.ds(base, CHUNK)], msg_v)
                pltpu.sync_copy(msg_v, shared.at[idx_v.at[0]], add=True)

        plsc.subcore_barrier()

        @pl.loop(0, (nzc + SC_SUBCORES - 1) // SC_SUBCORES)
        def _(k):
            zc = s + k * SC_SUBCORES

            @pl.when(zc < nzc)
            def _():
                pltpu.sync_copy(shared.at[pl.ds(zc * ZCH, ZCH)],
                                out_hbm.at[c].at[pl.ds(zc * ZCH, ZCH)])

    return k(msg, dst, zeros)


_LOG2 = 0.6931471805599453


def _softplus(x):
    return jnp.maximum(x, 0.0) + jnp.log(1.0 + jnp.exp(-jnp.abs(x))) - _LOG2


EPT = E // SC_TILES

TKNOT = 8192
DINV = TKNOT / 8.0
TB = 2048


def _table_body(f1_wt_ref, f1_b_ref, f2_wt_ref, f2_b_ref, out_ref):
    i = pl.program_id(0)
    r = jax.lax.broadcasted_iota(jnp.int32, (TB, 1), 0) + i * TB
    d = r.astype(jnp.float32) * (1.0 / DINV)
    delta = CUTOFF / (NRBF - 1)
    offs = jax.lax.broadcasted_iota(jnp.int32, (TB, NRBF), 1).astype(
        jnp.float32) * delta
    coeff = -0.5 / (delta * delta)
    rbf = jnp.exp(coeff * (d - offs) ** 2)
    w = _softplus(jnp.dot(rbf, f1_wt_ref[...],
                          preferred_element_type=jnp.float32) + f1_b_ref[...])
    w = _softplus(jnp.dot(w, f2_wt_ref[...],
                          preferred_element_type=jnp.float32) + f2_b_ref[...])
    c = 0.5 * (jnp.cos(d * (jnp.pi / CUTOFF)) + 1.0)
    c = jnp.where(d < CUTOFF, c, 0.0)
    out_ref[...] = w * c


@jax.jit
def _filter_table(f1_wt, f1_b, f2_wt, f2_b):
    return pl.pallas_call(
        _table_body,
        grid=(TKNOT // TB,),
        in_specs=[
            pl.BlockSpec((NRBF, H), lambda i: (0, 0)),
            pl.BlockSpec((1, H), lambda i: (0, 0)),
            pl.BlockSpec((H, H), lambda i: (0, 0)),
            pl.BlockSpec((1, H), lambda i: (0, 0)),
        ],
        out_specs=pl.BlockSpec((TB, H), lambda i: (i, 0)),
        out_shape=jax.ShapeDtypeStruct((TKNOT, H), jnp.float32),
    )(f1_wt, f1_b, f2_wt, f2_b)


def _edge_q_body(d2_ref, q_ref):
    d = jnp.sqrt(d2_ref[...] + 1e-12)
    q = jnp.floor(d * DINV + 0.5).astype(jnp.int32)
    q_ref[...] = jnp.clip(q, 0, TKNOT - 1)


@jax.jit
def _edge_q(d2_flat):
    d2m = d2_flat.reshape(E // H, H)
    q = pl.pallas_call(
        _edge_q_body,
        out_shape=jax.ShapeDtypeStruct((E // H, H), jnp.int32),
    )(d2m)
    return q.reshape(E)


E_PAD = 327680
MCH = 128
CPT = E_PAD // (SC_TILES * MCH)


@jax.jit
def _sc_gather_mul_scatter(g_tab, h, q2, src2, dst2, zeros):

    @functools.partial(
        pl.kernel,
        mesh=_sc_mesh(),
        out_type=jax.ShapeDtypeStruct((SC_CORES, N, H), jnp.float32),
        compiler_params=_sc_compiler_params(),
        scratch_types=[
            pltpu.VMEM_SHARED((N, H), jnp.float32),
            pltpu.VMEM((1, MCH), jnp.int32),
            pltpu.VMEM((1, MCH), jnp.int32),
            pltpu.VMEM((1, MCH), jnp.int32),
            pltpu.VMEM((MCH, H), jnp.float32),
            pltpu.VMEM((MCH, H), jnp.float32),
            pltpu.SemaphoreType.DMA,
        ],
    )
    def k(g_hbm, h_hbm, q_hbm, src_hbm, dst_hbm, zeros_hbm, out_hbm,
          shared, qi_v, si_v, di_v, g_v, h_v, sem):
        c = lax.axis_index("c")
        s = lax.axis_index("s")
        wid = s * SC_CORES + c
        row0 = wid * CPT

        nzc = N // ZCH

        @pl.loop(0, (nzc + SC_SUBCORES - 1) // SC_SUBCORES)
        def _(kk):
            zc = s + kk * SC_SUBCORES

            @pl.when(zc < nzc)
            def _():
                pltpu.sync_copy(zeros_hbm.at[pl.ds(zc * ZCH, ZCH)],
                                shared.at[pl.ds(zc * ZCH, ZCH)])

        plsc.subcore_barrier()

        nfull = NCHUNK // SC_TILES

        @pl.loop(0, nfull + 1)
        def _(i):
            cid = wid + i * SC_TILES

            @pl.when(cid < NCHUNK)
            def _():
                base = cid * MCH
                pltpu.sync_copy(q_hbm.at[pl.ds(base, MCH)], qi_v.at[0])
                pltpu.sync_copy(src_hbm.at[pl.ds(base, MCH)], si_v.at[0])
                pltpu.sync_copy(dst_hbm.at[pl.ds(base, MCH)], di_v.at[0])
                pltpu.sync_copy(g_hbm.at[qi_v.at[0]], g_v)
                pltpu.sync_copy(h_hbm.at[si_v.at[0]], h_v)

                @pl.loop(0, MCH)
                def _(r):
                    for kk in range(H // 16):
                        sl = pl.ds(kk * 16, 16)
                        g_v[r, sl] = g_v[r, sl] * h_v[r, sl]

                pltpu.sync_copy(g_v, shared.at[di_v.at[0]], add=True)

        plsc.subcore_barrier()

        @pl.loop(0, (nzc + SC_SUBCORES - 1) // SC_SUBCORES)
        def _(kk):
            zc = s + kk * SC_SUBCORES

            @pl.when(zc < nzc)
            def _():
                pltpu.sync_copy(shared.at[pl.ds(zc * ZCH, ZCH)],
                                out_hbm.at[c].at[pl.ds(zc * ZCH, ZCH)])

    return k(g_tab, h, q2, src2, dst2, zeros)


@jax.jit
def _sc_edge_d2(px, py, pz, src, dst):

    @functools.partial(
        pl.kernel,
        mesh=_sc_mesh(),
        out_type=jax.ShapeDtypeStruct((E,), jnp.float32),
        compiler_params=_sc_compiler_params(),
        scratch_types=[
            pltpu.VMEM((N,), jnp.float32),
            pltpu.VMEM((N,), jnp.float32),
            pltpu.VMEM((N,), jnp.float32),
            pltpu.VMEM((EPT,), jnp.int32),
            pltpu.VMEM((EPT,), jnp.int32),
            pltpu.VMEM((EPT,), jnp.float32),
        ],
    )
    def k(px_hbm, py_hbm, pz_hbm, src_hbm, dst_hbm, out_hbm,
          px_v, py_v, pz_v, src_v, dst_v, d2_v):
        c = lax.axis_index("c")
        s = lax.axis_index("s")
        wid = s * SC_CORES + c
        base = wid * EPT
        pltpu.sync_copy(px_hbm, px_v)
        pltpu.sync_copy(py_hbm, py_v)
        pltpu.sync_copy(pz_hbm, pz_v)
        pltpu.sync_copy(src_hbm.at[pl.ds(base, EPT)], src_v)
        pltpu.sync_copy(dst_hbm.at[pl.ds(base, EPT)], dst_v)

        @pl.loop(0, EPT // 16)
        def _(i):
            o = i * 16
            si = src_v[pl.ds(o, 16)]
            di = dst_v[pl.ds(o, 16)]
            dx = plsc.load_gather(px_v, [di]) - plsc.load_gather(px_v, [si])
            dy = plsc.load_gather(py_v, [di]) - plsc.load_gather(py_v, [si])
            dz = plsc.load_gather(pz_v, [di]) - plsc.load_gather(pz_v, [si])
            d2_v[pl.ds(o, 16)] = dx * dx + dy * dy + dz * dz

        pltpu.sync_copy(d2_v, out_hbm.at[pl.ds(base, EPT)])

    return k(px, py, pz, src, dst)


@jax.jit
def _sc_gather(table, idx):

    @functools.partial(
        pl.kernel,
        mesh=_sc_mesh(),
        out_type=jax.ShapeDtypeStruct((E, H), jnp.float32),
        scratch_types=[
            pltpu.VMEM((1, CHUNK), jnp.int32),
            pltpu.VMEM((CHUNK, H), jnp.float32),
        ],
    )
    def k(table_hbm, idx_hbm, out_hbm, idx_v, rows_v):
        c = lax.axis_index("c")
        s = lax.axis_index("s")
        wid = s * SC_CORES + c

        nfull = NCHUNK // SC_TILES

        @pl.loop(0, nfull + 1)
        def _(i):
            cid = wid + i * SC_TILES

            @pl.when(cid < NCHUNK)
            def _():
                base = cid * CHUNK
                pltpu.sync_copy(idx_hbm.at[pl.ds(base, CHUNK)], idx_v.at[0])
                pltpu.sync_copy(table_hbm.at[idx_v.at[0]], rows_v)
                pltpu.sync_copy(rows_v, out_hbm.at[pl.ds(base, CHUNK)])

    return k(table, idx)


def _edge_msg_body(d2_ref, hg_ref, f1_wt_ref, f1_b_ref, f2_wt_ref, f2_b_ref,
                   out_ref):
    d2 = d2_ref[...]
    d = jnp.sqrt(d2 + 1e-12)
    delta = CUTOFF / (NRBF - 1)
    offs = jax.lax.broadcasted_iota(jnp.int32, (EB, NRBF), 1).astype(
        jnp.float32) * delta
    coeff = -0.5 / (delta * delta)
    rbf = jnp.exp(coeff * (d - offs) ** 2)
    w = _softplus(jnp.dot(rbf, f1_wt_ref[...],
                          preferred_element_type=jnp.float32) + f1_b_ref[...])
    w = _softplus(jnp.dot(w, f2_wt_ref[...],
                          preferred_element_type=jnp.float32) + f2_b_ref[...])
    c = 0.5 * (jnp.cos(d * (jnp.pi / CUTOFF)) + 1.0)
    c = jnp.where(d < CUTOFF, c, 0.0)
    out_ref[...] = hg_ref[...] * w * c


@jax.jit
def _edge_msg(d2, hg, f1_wt, f1_b, f2_wt, f2_b):
    grid = (E // EB,)
    return pl.pallas_call(
        _edge_msg_body,
        grid=grid,
        in_specs=[
            pl.BlockSpec((EB, 1), lambda i: (i, 0)),
            pl.BlockSpec((EB, H), lambda i: (i, 0)),
            pl.BlockSpec((NRBF, H), lambda i: (0, 0)),
            pl.BlockSpec((1, H), lambda i: (0, 0)),
            pl.BlockSpec((H, H), lambda i: (0, 0)),
            pl.BlockSpec((1, H), lambda i: (0, 0)),
        ],
        out_specs=pl.BlockSpec((EB, H), lambda i: (i, 0)),
        out_shape=jax.ShapeDtypeStruct((E, H), jnp.float32),
    )(d2, hg, f1_wt, f1_b, f2_wt, f2_b)


def _node_lin_body(x_ref, wt_ref, out_ref):
    out_ref[...] = jnp.dot(x_ref[...], wt_ref[...],
                           preferred_element_type=jnp.float32)


@jax.jit
def _node_lin(x, wt):
    return pl.pallas_call(
        _node_lin_body,
        out_shape=jax.ShapeDtypeStruct((N, H), jnp.float32),
    )(x, wt)


def _node_update_body(x_ref, agg0_ref, agg1_ref, lin2_wt_ref, lin2_b_ref,
                      lin_wt_ref, lin_b_ref, out_ref):
    agg = agg0_ref[...] + agg1_ref[...]
    h = jnp.dot(agg, lin2_wt_ref[...],
                preferred_element_type=jnp.float32) + lin2_b_ref[...]
    h = jnp.tanh(h)
    h = jnp.dot(h, lin_wt_ref[...],
                preferred_element_type=jnp.float32) + lin_b_ref[...]
    out_ref[...] = x_ref[...] + h


@jax.jit
def _node_update(x, agg0, agg1, lin2_wt, lin2_b, lin_wt, lin_b):
    return pl.pallas_call(
        _node_update_body,
        out_shape=jax.ShapeDtypeStruct((N, H), jnp.float32),
    )(x, agg0, agg1, lin2_wt, lin2_b, lin_wt, lin_b)


def kernel(z, pos, edge_index, emb, lin1_W, f1_W, f1_b, f2_W, f2_b, lin2_W,
           lin2_b, lin_W, lin_b):
    src = edge_index[0].astype(jnp.int32)
    dst = edge_index[1].astype(jnp.int32)
    x = jnp.take(emb, z, axis=0)
    pt = pos.T
    d2 = _sc_edge_d2(pt[0], pt[1], pt[2], src, dst)
    q = _edge_q(d2)
    zeros = jnp.zeros((N, H), jnp.float32)

    npad = E_PAD - E
    q2 = jnp.concatenate([q, jnp.full((npad,), TKNOT - 1, jnp.int32)])
    src2 = jnp.concatenate([src, jnp.zeros((npad,), jnp.int32)])
    dst2 = jnp.concatenate([dst, jnp.zeros((npad,), jnp.int32)])

    for b in range(NBLK):
        g_tab = _filter_table(f1_W[b].T, f1_b[b][None, :], f2_W[b].T,
                              f2_b[b][None, :])
        h = _node_lin(x, lin1_W[b].T)
        aggs = _sc_gather_mul_scatter(g_tab, h, q2, src2, dst2, zeros)
        x = _node_update(x, aggs[0], aggs[1], lin2_W[b].T, lin2_b[b][None, :],
                         lin_W[b].T, lin_b[b][None, :])
    return x

# --- scband reference (transcript-rebuilt; emitter-appended) ---
"""Pipeline reference for scband-sch-net-9964324127005 (READ-ONLY COPY).

The authoritative reference and input builder live on the scoring server;
editing this copy changes nothing except your own understanding.
"""

import jax, jax.numpy as jnp
import numpy as np

N = 10000
E = 320000
H = 128
NRBF = 50
NBLK = 3
CUTOFF = 5.0
NTYPES = 100


def shifted_softplus(x):
    return jax.nn.softplus(x) - jnp.log(2.0)


def setup_inputs(seed: int = 0):
    key = jax.random.key(seed)
    ks = jax.random.split(key, 12)
    inp = {}
    inp["z"] = jax.random.randint(ks[0], (N,), 0, NTYPES)
    inp["pos"] = jax.random.uniform(ks[1], (N, 3), jnp.float32) * 4.0
    inp["edge_index"] = jax.random.randint(ks[2], (2, E), 0, N)
    inp["emb"] = jax.random.normal(ks[3], (NTYPES, H), jnp.float32) * 0.1
    s = 1.0 / np.sqrt(H)
    sr = 1.0 / np.sqrt(NRBF)
    inp["lin1_W"] = jax.random.uniform(ks[4], (NBLK, H, H), jnp.float32, -s, s)
    inp["f1_W"] = jax.random.uniform(ks[5], (NBLK, H, NRBF), jnp.float32, -sr, sr)
    inp["f1_b"] = jnp.zeros((NBLK, H), jnp.float32)
    inp["f2_W"] = jax.random.uniform(ks[6], (NBLK, H, H), jnp.float32, -s, s)
    inp["f2_b"] = jnp.zeros((NBLK, H), jnp.float32)
    inp["lin2_W"] = jax.random.uniform(ks[7], (NBLK, H, H), jnp.float32, -s, s)
    inp["lin2_b"] = jnp.zeros((NBLK, H), jnp.float32)
    inp["lin_W"] = jax.random.uniform(ks[8], (NBLK, H, H), jnp.float32, -s, s)
    inp["lin_b"] = jnp.zeros((NBLK, H), jnp.float32)
    return inp


def _forward(pos, emb, lin1_W, f1_W, f1_b, f2_W, f2_b, lin2_W, lin2_b, lin_W, lin_b, z, edge_index):
    # embedding_layer(data.z)
    x = jnp.take(emb, z, axis=0)
    src = edge_index[0]
    dst = edge_index[1]
    # compute_distances(pos, edge_index)
    diff = jnp.take(pos, dst, axis=0) - jnp.take(pos, src, axis=0)
    d = jnp.sqrt(jnp.sum(diff * diff, axis=-1) + 1e-12)
    # GaussianSmearing rbf expansion
    offsets = jnp.linspace(0.0, CUTOFF, NRBF)
    coeff = -0.5 / (offsets[1] - offsets[0]) ** 2
    rbf = jnp.exp(coeff * (d[:, None] - offsets[None, :]) ** 2)
    # cosine cutoff envelope
    C = 0.5 * (jnp.cos(d * jnp.pi / CUTOFF) + 1.0) * (d < CUTOFF).astype(jnp.float32)
    for b in range(NBLK):
        # CFConv: lin1 -> filter-generating MLP on rbf -> message -> scatter-add -> lin2
        h = x @ lin1_W[b].T
        Wf = shifted_softplus(rbf @ f1_W[b].T + f1_b[b])
        Wf = shifted_softplus(Wf @ f2_W[b].T + f2_b[b])
        msg = jnp.take(h, src, axis=0) * Wf * C[:, None]
        agg = jnp.zeros((N, H), jnp.float32).at[dst].add(msg)
        h = agg @ lin2_W[b].T + lin2_b[b]
        # InteractionBlock: activation (Tanh) then lin
        h = jnp.tanh(h)
        h = h @ lin_W[b].T + lin_b[b]
        # residual update in SchNet.forward
        x = x + h
    return x


def reference(z, pos, edge_index, emb, lin1_W, f1_W, f1_b, f2_W, f2_b, lin2_W, lin2_b, lin_W, lin_b):
    return _forward(pos, emb, lin1_W, f1_W, f1_b, f2_W, f2_b, lin2_W, lin2_b, lin_W, lin_b, z, edge_index)

if __name__ == "__main__":
    import jax
    _d = setup_inputs()
    print(jax.jit(kernel)(*tuple(_d.values())))

</pallas_src>

<mosaic_0001>
#map = affine_map<(d0, d1) -> (0)>
module attributes {stable_mosaic.version = 14 : i64} {
  func.func @k(%arg0: i32, %arg1: i32, %arg2: memref<10000xf32, #tpu.memory_space<hbm>>, %arg3: memref<10000xf32, #tpu.memory_space<hbm>>, %arg4: memref<10000xf32, #tpu.memory_space<hbm>>, %arg5: memref<320000xi32, #tpu.memory_space<hbm>>, %arg6: memref<320000xi32, #tpu.memory_space<hbm>>, %arg7: memref<320000xf32, #tpu.memory_space<hbm>>, %arg8: memref<10000xf32, #tpu.memory_space<vmem>>, %arg9: memref<10000xf32, #tpu.memory_space<vmem>>, %arg10: memref<10000xf32, #tpu.memory_space<vmem>>, %arg11: memref<10000xi32, #tpu.memory_space<vmem>>, %arg12: memref<10000xi32, #tpu.memory_space<vmem>>, %arg13: memref<10000xf32, #tpu.memory_space<vmem>>) attributes {dimension_semantics = [#tpu.dimension_semantics<core_parallel>, #tpu.dimension_semantics<subcore_parallel>], iteration_bounds = array<i64: 2, 16>, scalar_prefetch = 0 : i64, scratch_operands = 6 : i64, tpu.core_type = #tpu.core_type<sc_vector_subcore>, window_params = [{transform_indices = #map}, {transform_indices = #map}, {transform_indices = #map}, {transform_indices = #map}, {transform_indices = #map}, {transform_indices = #map}]} {
    %mul3A = arith.constant 2 : i32
    %mul3A_0 = arith.muli %arg1, %mul3A : i32
    %add3A = arith.addi %mul3A_0, %arg0 : i32
    %mul3A_1 = arith.constant 10000 : i32
    %mul3A_2 = arith.muli %add3A, %mul3A_1 : i32
    "tpu.region"() ({
      %run_scoped3A = tpu.sem_alloc : memref<!tpu.dma_semaphore, #tpu.memory_space<semaphore_mem>>
      tpu.enqueue_dma source(%arg2 : memref<10000xf32, #tpu.memory_space<hbm>>) target(%arg8 : memref<10000xf32, #tpu.memory_space<vmem>>) target_semaphore(%run_scoped3A : memref<!tpu.dma_semaphore, #tpu.memory_space<semaphore_mem>>)
      tpu.wait_dma2 semaphore(%run_scoped3A : memref<!tpu.dma_semaphore, #tpu.memory_space<semaphore_mem>>) src(%arg2 : memref<10000xf32, #tpu.memory_space<hbm>>) dst(%arg8 : memref<10000xf32, #tpu.memory_space<vmem>>)
      tpu.yield
    }) : () -> ()
    "tpu.region"() ({
      %run_scoped3A = tpu.sem_alloc : memref<!tpu.dma_semaphore, #tpu.memory_space<semaphore_mem>>
      tpu.enqueue_dma source(%arg3 : memref<10000xf32, #tpu.memory_space<hbm>>) target(%arg9 : memref<10000xf32, #tpu.memory_space<vmem>>) target_semaphore(%run_scoped3A : memref<!tpu.dma_semaphore, #tpu.memory_space<semaphore_mem>>)
      tpu.wait_dma2 semaphore(%run_scoped3A : memref<!tpu.dma_semaphore, #tpu.memory_space<semaphore_mem>>) src(%arg3 : memref<10000xf32, #tpu.memory_space<hbm>>) dst(%arg9 : memref<10000xf32, #tpu.memory_space<vmem>>)
      tpu.yield
    }) : () -> ()
    "tpu.region"() ({
      %run_scoped3A = tpu.sem_alloc : memref<!tpu.dma_semaphore, #tpu.memory_space<semaphore_mem>>
      tpu.enqueue_dma source(%arg4 : memref<10000xf32, #tpu.memory_space<hbm>>) target(%arg10 : memref<10000xf32, #tpu.memory_space<vmem>>) target_semaphore(%run_scoped3A : memref<!tpu.dma_semaphore, #tpu.memory_space<semaphore_mem>>)
      tpu.wait_dma2 semaphore(%run_scoped3A : memref<!tpu.dma_semaphore, #tpu.memory_space<semaphore_mem>>) src(%arg4 : memref<10000xf32, #tpu.memory_space<hbm>>) dst(%arg10 : memref<10000xf32, #tpu.memory_space<vmem>>)
      tpu.yield
    }) : () -> ()
    "tpu.region"() ({
      %run_scoped3A = tpu.sem_alloc : memref<!tpu.dma_semaphore, #tpu.memory_space<semaphore_mem>>
      %dma_start3A = tpu.memref_slice %arg5[%mul3A_2] : memref<320000xi32, #tpu.memory_space<hbm>> -> memref<10000xi32, #tpu.memory_space<hbm>>
      %dma_start3A_7 = tpu.memref_slice %arg5[%mul3A_2] : memref<320000xi32, #tpu.memory_space<hbm>> -> memref<10000xi32, #tpu.memory_space<hbm>>
      tpu.enqueue_dma source(%dma_start3A_7 : memref<10000xi32, #tpu.memory_space<hbm>>) target(%arg11 : memref<10000xi32, #tpu.memory_space<vmem>>) target_semaphore(%run_scoped3A : memref<!tpu.dma_semaphore, #tpu.memory_space<semaphore_mem>>)
      %dma_wait3A = tpu.memref_slice %arg5[%mul3A_2] : memref<320000xi32, #tpu.memory_space<hbm>> -> memref<10000xi32, #tpu.memory_space<hbm>>
      %dma_wait3A_8 = tpu.memref_slice %arg5[%mul3A_2] : memref<320000xi32, #tpu.memory_space<hbm>> -> memref<10000xi32, #tpu.memory_space<hbm>>
      tpu.wait_dma2 semaphore(%run_scoped3A : memref<!tpu.dma_semaphore, #tpu.memory_space<semaphore_mem>>) src(%dma_wait3A_8 : memref<10000xi32, #tpu.memory_space<hbm>>) dst(%arg11 : memref<10000xi32, #tpu.memory_space<vmem>>)
      tpu.yield
    }) : () -> ()
    "tpu.region"() ({
      %run_scoped3A = tpu.sem_alloc : memref<!tpu.dma_semaphore, #tpu.memory_space<semaphore_mem>>
      %dma_start3A = tpu.memref_slice %arg6[%mul3A_2] : memref<320000xi32, #tpu.memory_space<hbm>> -> memref<10000xi32, #tpu.memory_space<hbm>>
      %dma_start3A_7 = tpu.memref_slice %arg6[%mul3A_2] : memref<320000xi32, #tpu.memory_space<hbm>> -> memref<10000xi32, #tpu.memory_space<hbm>>
      tpu.enqueue_dma source(%dma_start3A_7 : memref<10000xi32, #tpu.memory_space<hbm>>) target(%arg12 : memref<10000xi32, #tpu.memory_space<vmem>>) target_semaphore(%run_scoped3A : memref<!tpu.dma_semaphore, #tpu.memory_space<semaphore_mem>>)
      %dma_wait3A = tpu.memref_slice %arg6[%mul3A_2] : memref<320000xi32, #tpu.memory_space<hbm>> -> memref<10000xi32, #tpu.memory_space<hbm>>
      %dma_wait3A_8 = tpu.memref_slice %arg6[%mul3A_2] : memref<320000xi32, #tpu.memory_space<hbm>> -> memref<10000xi32, #tpu.memory_space<hbm>>
      tpu.wait_dma2 semaphore(%run_scoped3A : memref<!tpu.dma_semaphore, #tpu.memory_space<semaphore_mem>>) src(%dma_wait3A_8 : memref<10000xi32, #tpu.memory_space<hbm>>) dst(%arg12 : memref<10000xi32, #tpu.memory_space<vmem>>)
      tpu.yield
    }) : () -> ()
    %scan3A = arith.constant 0 : i32
    %scan3A_3 = arith.constant 625 : i32
    %scan3A_4 = arith.addi %scan3A, %scan3A_3 : i32
    %scan3A_5 = arith.constant 1 : i32
    scf.for %scan3A_7 = %scan3A to %scan3A_4 step %scan3A_5  : i32 {
      %mul3A_8 = arith.constant 1 : i32
      %mul3A_9 = arith.muli %scan3A_7, %mul3A_8 : i32
      %add3A_10 = arith.constant 0 : i32
      %add3A_11 = arith.addi %add3A_10, %mul3A_9 : i32
      %mul3A_12 = arith.constant 16 : i32
      %mul3A_13 = arith.muli %add3A_11, %mul3A_12 : i32
      %get3A = arith.index_cast %mul3A_13 : i32 to index
      %get3A_14 = tpu.vector_load %arg11[%get3A] {strides = array<i32>} : memref<10000xi32, #tpu.memory_space<vmem>>, vector<16xi32>,
      %get3A_15 = arith.index_cast %mul3A_13 : i32 to index
      %get3A_16 = tpu.vector_load %arg12[%get3A_15] {strides = array<i32>} : memref<10000xi32, #tpu.memory_space<vmem>>, vector<16xi32>,
      %gather3A = tpu.vector_load_idx %arg8[%get3A_16] : memref<10000xf32, #tpu.memory_space<vmem>>[vector<16xi32>], vector<16xf32>,
      %gather3A_17 = tpu.vector_load_idx %arg8[%get3A_14] : memref<10000xf32, #tpu.memory_space<vmem>>[vector<16xi32>], vector<16xf32>,
      %sub3A = arith.subf %gather3A, %gather3A_17 : vector<16xf32>
      %gather3A_18 = tpu.vector_load_idx %arg9[%get3A_16] : memref<10000xf32, #tpu.memory_space<vmem>>[vector<16xi32>], vector<16xf32>,
      %gather3A_19 = tpu.vector_load_idx %arg9[%get3A_14] : memref<10000xf32, #tpu.memory_space<vmem>>[vector<16xi32>], vector<16xf32>,
      %sub3A_20 = arith.subf %gather3A_18, %gather3A_19 : vector<16xf32>
      %gather3A_21 = tpu.vector_load_idx %arg10[%get3A_16] : memref<10000xf32, #tpu.memory_space<vmem>>[vector<16xi32>], vector<16xf32>,
      %gather3A_22 = tpu.vector_load_idx %arg10[%get3A_14] : memref<10000xf32, #tpu.memory_space<vmem>>[vector<16xi32>], vector<16xf32>,
      %sub3A_23 = arith.subf %gather3A_21, %gather3A_22 : vector<16xf32>
      %mul3A_24 = arith.mulf %sub3A, %sub3A : vector<16xf32>
      %mul3A_25 = arith.mulf %sub3A_20, %sub3A_20 : vector<16xf32>
      %add3A_26 = arith.addf %mul3A_24, %mul3A_25 : vector<16xf32>
      %mul3A_27 = arith.mulf %sub3A_23, %sub3A_23 : vector<16xf32>
      %add3A_28 = arith.addf %add3A_26, %mul3A_27 : vector<16xf32>
      %swap3A = arith.index_cast %mul3A_13 : i32 to index
      %swap3A_29 = tpu.vector_load %arg13[%swap3A] {strides = array<i32>} : memref<10000xf32, #tpu.memory_space<vmem>>, vector<16xf32>,
      tpu.vector_store %arg13[%swap3A], %add3A_28 {strides = array<i32>} : memref<10000xf32, #tpu.memory_space<vmem>>, vector<16xf32>,
    }
    %scan3A_6 = arith.constant 625 : i32
    "tpu.region"() ({
      %run_scoped3A = tpu.sem_alloc : memref<!tpu.dma_semaphore, #tpu.memory_space<semaphore_mem>>
      %dma_start3A = tpu.memref_slice %arg7[%mul3A_2] : memref<320000xf32, #tpu.memory_space<hbm>> -> memref<10000xf32, #tpu.memory_space<hbm>>
      %dma_start3A_7 = tpu.memref_slice %arg7[%mul3A_2] : memref<320000xf32, #tpu.memory_space<hbm>> -> memref<10000xf32, #tpu.memory_space<hbm>>
      tpu.enqueue_dma source(%arg13 : memref<10000xf32, #tpu.memory_space<vmem>>) target(%dma_start3A_7 : memref<10000xf32, #tpu.memory_space<hbm>>) target_semaphore(%run_scoped3A : memref<!tpu.dma_semaphore, #tpu.memory_space<semaphore_mem>>)
      %dma_wait3A = tpu.memref_slice %arg7[%mul3A_2] : memref<320000xf32, #tpu.memory_space<hbm>> -> memref<10000xf32, #tpu.memory_space<hbm>>
      %dma_wait3A_8 = tpu.memref_slice %arg7[%mul3A_2] : memref<320000xf32, #tpu.memory_space<hbm>> -> memref<10000xf32, #tpu.memory_space<hbm>>
      tpu.wait_dma2 semaphore(%run_scoped3A : memref<!tpu.dma_semaphore, #tpu.memory_space<semaphore_mem>>) src(%arg13 : memref<10000xf32, #tpu.memory_space<vmem>>) dst(%dma_wait3A_8 : memref<10000xf32, #tpu.memory_space<hbm>>)
      tpu.yield
    }) : () -> ()
    return
  }
}

</mosaic_0001>

<sc_bundles>
// kernel: _sc_edge_d2.3.cloned.1.call-start
scs
__scs_entry_jumppad:
0x0: {  	(pc) =	sbr.rel $0x88, $3  }
0x1: {  	(tag) =	ssettag $0x0;
	lr =	simm.s32 $0x1  }
0x2: {  	[smem:$0x3F9C] =	sst lr;
	_ =	strace $0xD0000000  }
0x3: {  	_ = 	snop  }
0x4: {  	_ = 	snop  }
0x5: {  	_ = 	snop  }
0x6: {  	_ = 	snop  }
0x7: {  	_ = 	snop  }
__scs_overlays_trampoline_lowered:
0x8: {  	[smem:$0x3FAB] =	sst s0  }
0x9: {  	[smem:$0x3FAC] =	sst s1  }
0xa: {  	[smem:$0x3FAD] =	sst s2  }
0xb: {  	[smem:$0x3FAE] =	sst s3  }
0xc: {  	[smem:$0x3FAF] =	sst s4  }
0xd: {  	[smem:$0x3FB0] =	sst s5  }
0xe: {  	[smem:$0x3FB1] =	sst s6  }
0xf: {  	[smem:$0x3FB2] =	sst s7  }
0x10: {  	[smem:$0x3FB3] =	sst s8  }
0x11: {  	[smem:$0x3FB4] =	sst s9;
	s0 =	simm.s32 @!p0 $0x0  }
0x12: {  	s1 =	sld [smem:$0x3F9A];
	s0 =	simm.s32 @p0 $0x1  }
0x13: {  	[smem:$0x3FB5] =	sst s0;
	s0 =	simm.s32 @!p1 $0x0  }
0x14: {  	s2 =	sld [smem:$0x3F99];
	s0 =	simm.s32 @p1 $0x1  }
0x15: {  	[smem:$0x3FB6] =	sst s0;
	s0 =	simm.s32 @!p2 $0x0  }
0x16: {  	s3 =	sld [smem:$0x3FDB];
	s0 =	simm.s32 @p2 $0x1  }
0x17: {  	s4 =	simm.s32 $0x1BF5;
	[smem:$0x3FB8] =	sst s0  }
0x18: {  	s0 =	sld [smem:$0x3F9B];
	_ =	swait.ge [sflag:s4], $0x0  }
0x19: {  	s7 =	sld [smem:$0x3F9C]  }
0x1a: {  	s8 =	sadd.s32 $0xFFFFE003, lr  }
0x1b: {  	s9 =	sadd.s32 $0xFFFFFEF7, lr;
	s5 =	simm.s32 $0xFFFFFFFF;
	p2 =	slt.u32 s8, $0xFFFFF086  }
0x1c: {  	p1 =	slt.u32 s9, $0xF7A;
	s5 =	simm.s32 @!p2 $0x0  }
0x1d: {  	s5 =	simm.s32 @p1 $0x1;
	p0 =	seq.s32 s7, s2  }
0x1e: {  	s7 =	smul.u32 @!p0 $0xF7A, s2;
	p2 =	seq.s32 @!p0 s5, $0x0  }
0x1f: {  	s9 =	smul.u32 $0xF7A, s1;
	s8 =	simm.s32 @!p0 $0x1BF5;
	p2 =	por !p2, p0  }
0x20: {  	[sflag:s8] =	ssyncset.s32 @!p0 $0xFFFFF086;
	s6 =	sadd.s32 @!p0 s3, s7;
	s7 =	simm.s32 @!p0 $0x108  }
0x21: {  	s3 =	sadd.s32 s3, s9;
	s6 =	sadd.s32 @!p0 $0x88, s6;
	s7 =	simm.s32 @p2 $0x1082  }
0x22: {  	[simem:s7], [sflag:s8] =	dma.local @!p0 [hbm:s6], $0xF7A  }
0x23: {  	s9 =	sor.u32 $0xD0000000, s2;
	s6 =	simm.s32 $0x108;
	_ =	swait.ge @!p0 [sflag:s8], $0x0  }
0x24: {  	s3 =	sadd.s32 $0x88, s3;
	s6 =	simm.s32 @!p1 $0x1082;
	[sflag:s4] =	ssyncset.s32 $0xFFFFF086  }
0x25: {  	[simem:s6], [sflag:s4] =	dma.local [hbm:s3], $0xF7A  }
0x26: {  	[smem:$0x3F9C] =	sst s1;
	(tag) =	ssettag s2;
	_ =	strace s9  }
0x27: {  	s1 =	sld [smem:$0x3FAC]  }
0x28: {  	s2 =	sld [smem:$0x3FAD]  }
0x29: {  	s4 =	sld [smem:$0x3FAF]  }
0x2a: {  	p0 =	seq.s32 s5, $0x0;
	s5 =	sld [smem:$0x3FB0]  }
0x2b: {  	s6 =	sld [smem:$0x3FB1]  }
0x2c: {  	s7 =	sld [smem:$0x3FB2]  }
0x2d: {  	s3 =	simm.s32 $0x108;
	s8 =	sld [smem:$0x3FB3]  }
0x2e: {  	s3 =	simm.s32 @!p0 $0x1082;
	s9 =	sld [smem:$0x3FB4]  }
0x2f: {  	lr =	sadd.s32 s0, s3;
	s0 =	sld [smem:$0x3FAB]  }
0x30: {  	s3 =	sld [smem:$0x3FAE]  }
0x31: {  	[smem:$0x3FB7] =	sst s10  }
0x32: {  	s10 =	sld [smem:$0x3FB5];
	_ =	sdelay $0x3  }
0x33: {  	p0 =	seq.s32 s10, $0x1;
	s10 =	sld [smem:$0x3FB7];
	_ =	sdelay $0x3  }
0x34: {  	[smem:$0x3FB7] =	sst s10  }
0x35: {  	s10 =	sld [smem:$0x3FB6];
	_ =	sdelay $0x3  }
0x36: {  	p1 =	seq.s32 s10, $0x1;
	s10 =	sld [smem:$0x3FB7];
	_ =	sdelay $0x3  }
0x37: {  	[smem:$0x3FB7] =	sst s10  }
0x38: {  	s10 =	sld [smem:$0x3FB8]  }
0x39: {  	_ = 	snop;
	(pc) =	sbr.ind lr, $3  }
0x3a: {  	_ = 	snop  }
0x3b: {  	_ = 	snop  }
0x3c: {  	p2 =	seq.s32 s10, $0x1;
	s10 =	sld [smem:$0x3FB7]  }
0x3d: {  	_ =	shalt  }
0x3e: {  	_ =	shalt  }
0x3f: {  	_ =	shalt  }
0x40: {  	_ =	shalt  }
0x41: {  	_ =	shalt  }
0x42: {  	_ =	shalt  }
0x43: {  	_ =	shalt  }
0x44: {  	_ =	shalt  }
0x45: {  	_ =	shalt  }
0x46: {  	_ =	shalt  }
0x47: {  	_ =	shalt  }
0x48: {  	_ =	shalt  }
0x49: {  	_ =	shalt  }
0x4a: {  	_ =	shalt  }
0x4b: {  	_ =	shalt  }
0x4c: {  	_ =	shalt  }
0x4d: {  	_ =	shalt  }
0x4e: {  	_ =	shalt  }
0x4f: {  	_ =	shalt  }
0x50: {  	_ =	shalt  }
0x51: {  	_ =	shalt  }
0x52: {  	_ =	shalt  }
0x53: {  	_ =	shalt  }
0x54: {  	_ =	shalt  }
0x55: {  	_ =	shalt  }
0x56: {  	_ =	shalt  }
0x57: {  	_ =	shalt  }
0x58: {  	_ =	shalt  }
0x59: {  	_ =	shalt  }
0x5a: {  	_ =	shalt  }
0x5b: {  	_ =	shalt  }
0x5c: {  	_ =	shalt  }
0x5d: {  	_ =	shalt  }
0x5e: {  	_ =	shalt  }
0x5f: {  	_ =	shalt  }
0x60: {  	_ =	shalt  }
0x61: {  	_ =	shalt  }
0x62: {  	_ =	shalt  }
0x63: {  	_ =	shalt  }
0x64: {  	_ =	shalt  }
0x65: {  	_ =	shalt  }
0x66: {  	_ =	shalt  }
0x67: {  	_ =	shalt  }
0x68: {  	_ =	shalt  }
0x69: {  	_ =	shalt  }
0x6a: {  	_ =	shalt  }
0x6b: {  	_ =	shalt  }
0x6c: {  	_ =	shalt  }
0x6d: {  	_ =	shalt  }
0x6e: {  	_ =	shalt  }
0x6f: {  	_ =	shalt  }
0x70: {  	_ =	shalt  }
0x71: {  	_ =	shalt  }
0x72: {  	_ =	shalt  }
0x73: {  	_ =	shalt  }
0x74: {  	_ =	shalt  }
0x75: {  	_ =	shalt  }
0x76: {  	_ =	shalt  }
0x77: {  	_ =	shalt  }
0x78: {  	_ =	shalt  }
0x79: {  	_ =	shalt  }
0x7a: {  	_ =	shalt  }
0x7b: {  	_ =	shalt  }
0x7c: {  	_ =	shalt  }
0x7d: {  	_ =	shalt  }
0x7e: {  	_ =	shalt  }
0x7f: {  	_ =	shalt  }
0x80: {  	_ =	shalt  }
0x81: {  	_ =	shalt  }
0x82: {  	_ =	shalt  }
0x83: {  	_ =	shalt  }
0x84: {  	_ =	shalt  }
0x85: {  	_ =	shalt  }
0x86: {  	_ =	shalt  }
0x87: {  	_ =	shalt  }
.Lfunc_end0:
.L_simem_size_0:
called_computation_lowered:
.L_overlay_start_0:
0x88: {  	s2 =	sld [smem:$0x3FD9]  }
0x89: {  	s3 =	sld [smem:$0x3FFE];
	_ =	sdelay $0x1  }
0x8a: {  	s1 =	srdreg.scid  }
0x8b: {  	s0 =	sand.u32 $0x1, s1  }
0x8c: {  	s18 =	sshll.u32 s0, $0xA;
	s2 =	sadd.s32 s3, s2  }
0x8d: {  	s2 =	sadd.s32 s2, s18  }
0x8e: {  	[smem:$0x3FC3] =	sst s2  }
0x8f: {  	_ = 	snop  }
0x90: {  	s2 =	sld [smem:$0x3FC9]  }
0x91: {  	s19 =	sld [smem:$0x3FC8]  }
0x92: {  	s4 =	sld [smem:$0x3FC7]  }
0x93: {  	s5 =	sld [smem:$0x3FC6]  }
0x94: {  	s6 =	sld [smem:$0x3FC5]  }
0x95: {  	s7 =	sld [smem:$0x3FD0];
	(tm) =	ssettm $0x1  }
0x96: {  	s8 =	sld [smem:$0x3FFB];
	_ =	sdelay $0x3  }
0x97: {  	_ =	strace s8  }
0x98: {  	s8 =	sld [smem:$0x3FFC];
	_ =	sdelay $0x3  }
0x99: {  	_ =	strace s8  }
0x9a: {  	s8 =	sld [smem:$0x3FFD];
	_ =	sdelay $0x3  }
0x9b: {  	_ =	strace s8  }
0x9c: {  	_ =	strace $0x8FFFFFFF  }
0x9d: {  	s20 =	sld [smem:$0x3FDB];
	_ =	sdelay $0x1  }
0x9e: {  	s9 =	simm.s32 $_scs_section_size  }
0x9f: {  	s10 =	simm.s32 $_size__tile_overlayer_lowered;
	s11 =	simm.s32 $_tile_overlayer_lowered  }
0xa0: {  	s23 =	simm.s32 $0x1BFF;
	s22 =	sshll.u32 s11, $0x1;
	s8 =	sadd.s32 s9, s20  }
0xa1: {  	s12 =	simm.s32 $0x0;
	s21 =	sshll.u32 s10, $0x1;
	s10 =	sadd.s32 s22, s8  }
0xa2: {  	[timem:s12], [sflag:s23] =	dma.local [hbm:s10], s21  }
0xa3: {  	_ =	swait.ge [sflag:s23], s21  }
0xa4: {  	s9 =	ssub.s32 $0x0, s21;
	[sflag:s23] =	ssyncset.done $0x0  }
0xa5: {  	[sflag:s23] =	ssyncadd.s32 s9;
	_ =	sdelay $0x1  }
0xa6: {  	s24 =	simm.s32 $0x1B8B  }
0xa7: {  	_ =	swait.ge [sflag:s24], $0x1  }
0xa8: {  	[sflag:s24] =	ssyncset.done $0x0  }
0xa9: {  	s25 =	simm.s32 $0x1B8E;
	[sflag:s24] =	ssyncadd.s32 $0xFFFFFFFF  }
0xaa: {  	s26 =	simm.s32 $execute0_lowered;
	[smem:$0x3FD2] =	sst s25  }
0xab: {  	s9 =	sshll.u32 s26, $0x1;
	_ =	strace $0x80000046;
	[dreg:$0x1] =	wrdreg $0xFFFFFFFF  }
0xac: {  	s28 =	simm.s32 $_size_execute0_lowered;
	s8 =	sadd.s32 s8, s9;
	[dreg:$0x0] =	wrdreg $0x0  }
0xad: {  	s9 =	sshll.u32 s28, $0x1;
	[dreg:$0x2] =	wrdreg s8  }
0xae: {  	[dreg:$0x3] =	wrdreg s9  }
0xaf: {  	[dreg:$0x4] =	wrdreg $0xC0  }
0xb0: {  	_ =	task [dreg:s12], $0x5FFFF  }
0xb1: {  	[dreg:$0x1] =	wrdreg $0xFFFFFFFF  }
0xb2: {  	[dreg:$0x0] =	wrdreg $0x60  }
0xb3: {  	[dreg:$0x2] =	wrdreg s2  }
0xb4: {  	[dreg:$0x3] =	wrdreg s19  }
0xb5: {  	[dreg:$0x4] =	wrdreg s4  }
0xb6: {  	[dreg:$0x5] =	wrdreg s5  }
0xb7: {  	[dreg:$0x6] =	wrdreg s6  }
0xb8: {  	[dreg:$0x7] =	wrdreg s7  }
0xb9: {  	[dreg:$0x8] =	wrdreg $0x9  }
0xba: {  	_ =	task.clear_ibuf [dreg:s12], $0x9FFFF;
	_ =	strace $0x90000046  }
0xbb: {  	s29 =	simm.s32 $0x9;
	_ =	strace $0x80000048  }
0xbc: {  	_ =	swait.ge [sflag:s29], $0x1  }
0xbd: {  	[sflag:s29] =	ssyncadd.s32 $0xFFFFFFFF  }
0xbe: {  	_ =	strace $0x90000048  }
0xbf: {  	_ =	sfence  }
0xc0: {  	s30 =	sld [smem:$0x0];
	_ =	sdelay $0x2  }
0xc1: {  	s31 =	sshll.u32 s1, $0xD;
	s1 =	sshrl.u32 s1, $0x2  }
0xc2: {  	s3 =	sand.u32 $0x4000, s31;
	s1 =	sadd.s32 s1, s30  }
0xc3: {  	s0 =	sor.u32 s3, s0;
	s1 =	sshll.u32 s1, $0x11  }
0xc4: {  	s0 =	sor.u32 s1, s0  }
0xc5: {  	s0 =	sadd.s32 $0x8F2B, s0  }
0xc6: {  	[sflag:s0] =	ssyncadd.remote.s32 $0x1  }
0xc7: {  	_ =	sfence.sel $0xFFFF  }
0xc8: {  	[dreg:$0x0] =	wrdreg $0xFFFFFFFF;
	(pc) =	sbr.abs _section_cstart, $3  }
0xc9: {  	[dreg:$0x1] =	wrdreg $0xFFFFFFFF  }
0xca: {  	_ =	task.clear_ibuf [dreg:s12], $0x2FFFF;
	_ =	strace $0x9FFFFFFF  }
0xcb: {  	(tm) =	ssettm $0x7FFFFFFF  }
tec
execute0_lowered:
.L_overlay_start_1:
0x0: {  	(tag) =	ssettag $0x1  }
0x1: {  	s0 =	rddreg [dreg:$0x0]  }
0x2: {  	s1 =	rddreg [dreg:$0x1]  }
0x3: {  	s3 =	rddreg [dreg:$0x2]  }
0x4: {  	s6 =	rddreg [dreg:$0x3]  }
0x5: {  	s7 =	rddreg [dreg:$0x4];
	s4 =	srdreg.scid  }
0x6: {  	s2 =	stileid.u32;
	s8 =	rddreg [dreg:$0x5];
	s5 =	simm.s32 $0x0  }
0x7: {  	s12 =	simm.s32 $0x4F00;
	s13 =	simm.s32 $0x7680;
	s14 =	simm.s32 $0x9E00  }
0x8: {  	s15 =	simm.s32 $0xC580;
	s9 =	sand.u32 $0x1, s4;
	s10 =	sshll.u32 s2, $0x1  }
0x9: {  	s16 =	simm.s32 $0x0;
	s10 =	sor.u32 s9, s10;
	s9 =	ssub.s32 $0x2, s9  }
0xa: {  	[smem:$0x7FF] =	sst s5;
	s10 =	smul.u32 $0x4E2, s10;
	s11 =	sshrl.u32 s9, $0x1  }
0xb: {  	s4 =	rddreg [dreg:$0x6];
	_ =	strace $0x80000047;
	s9 =	ssub.s32 s9, s11  }
0xc: {  	s11 =	simm.s32 $0x2780;
	s6 =	sadd.s32 s6, s10;
	s7 =	sadd.s32 s7, s10  }
0xd: {  	s8 =	sadd.s32 s8, s10;
	s9 =	smax.u32 s9, $0x1;
	s10 =	simm.s32 $0x1  }
.LBB2_1:
0xe: {  	[tilespmem:s5], [sflag:$0x1] =	stream.linear.gather [hbm4b:s0+s5], $0x2780, $0x38;
	[tilespmem:$0xED00] =	vst v63  }
0xf: {  	_ =	swait.ge [sflag:s10], $0x2780  }
0x10: {  	[sflag:s10] =	ssyncset.done $0x0  }
0x11: {  	[sflag:s10] =	ssyncadd.s32 $0xFFFFD880  }
0x12: {  	[tilespmem:s11], [sflag:$0x1] =	stream.linear.gather [hbm4b:s1+s5], $0x2780, $0x38;
	[tilespmem:$0xED00] =	vst v63  }
0x13: {  	_ =	swait.ge [sflag:s10], $0x2780  }
0x14: {  	[sflag:s10] =	ssyncset.done $0x0  }
0x15: {  	[sflag:s10] =	ssyncadd.s32 $0xFFFFD880  }
0x16: {  	[tilespmem:s12], [sflag:$0x1] =	stream.linear.gather [hbm4b:s3+s5], $0x2780, $0x38;
	[tilespmem:$0xED00] =	vst v63  }
0x17: {  	_ =	swait.ge [sflag:s10], $0x2780  }
0x18: {  	[sflag:s10] =	ssyncset.done $0x0  }
0x19: {  	[sflag:s10] =	ssyncadd.s32 $0xFFFFD880  }
0x1a: {  	[tilespmem:s13], [sflag:$0x1] =	stream.linear.gather [hbm4b:s6+s5], $0x2710, $0x38;
	[tilespmem:$0xED00] =	vst v63  }
0x1b: {  	_ =	swait.ge [sflag:s10], $0x2710  }
0x1c: {  	[sflag:s10] =	ssyncset.done $0x0  }
0x1d: {  	[sflag:s10] =	ssyncadd.s32 $0xFFFFD8F0  }
0x1e: {  	[tilespmem:s14], [sflag:$0x1] =	stream.linear.gather [hbm4b:s7+s5], $0x2710, $0x38;
	[tilespmem:$0xED00] =	vst v63  }
0x1f: {  	_ =	swait.ge [sflag:s10], $0x2710  }
0x20: {  	[sflag:s10] =	ssyncset.done $0x0  }
0x21: {  	s17 =	simm.s32 $0x0;
	[sflag:s10] =	ssyncadd.s32 $0xFFFFD8F0  }
0x22: {  	v0 =	vld [tilespmem:s17+$0x7680]  }
0x23: {  	v1 =	vld [tilespmem:s17+$0x9E00];
	_ =	sdelay $0x6  }
0x24: {  	v2 =	vld.idx.msk [tilespmem:v0+s5+$0x0], $0xffff  }
0x25: {  	v3 =	vld.idx.msk [tilespmem:v1+s5+$0x0], $0xffff  }
0x26: {  	v4 =	vld.idx.msk [tilespmem:v1+s11+$0x0], $0xffff  }
0x27: {  	v5 =	vld.idx.msk [tilespmem:v0+s11+$0x0], $0xffff  }
0x28: {  	v6 =	vld.idx.msk [tilespmem:v1+s12+$0x0], $0xffff  }
0x29: {  	v7 =	vld.idx.msk [tilespmem:v0+s12+$0x0], $0xffff;
	_ =	sdelay $0x2  }
0x2a: {  	s18 =	simm.s32 $0x10;
	v3 =	vsub.f32 v3, v2;
	v4 =	vsub.f32 v4, v5  }
0x2b: {  	v0 =	vld [tilespmem:s18+$0x7680]  }
0x2c: {  	v1 =	vld [tilespmem:s18+$0x9E00];
	v2 =	vsub.f32 v6, v7;
	v3 =	vmul.f32 v3, v3;
	v4 =	vmul.f32 v4, v4  }
0x2d: {  	s19 =	simm.s32 $0x80  }
.LBB2_2:
0x2e: {  	p0 =	sne.s32 s19, $0x9C00;
	v3 =	vadd.f32 v4, v3;
	v2 =	vmul.f32 v2, v2;
	_ =	sdelay $0x1  }
0x2f: {  	v2 =	vadd.f32 v2, v3;
	_ =	sdelay $0x1  }
0x30: {  	[tilespmem:s17+$0xC580] =	vst v2;
	s17 =	smov.u32 s18  }
0x31: {  	v2 =	vld.idx.msk [tilespmem:v0+s5+$0x0], $0xffff  }
0x32: {  	v3 =	vld.idx.msk [tilespmem:v1+s5+$0x0], $0xffff  }
0x33: {  	v4 =	vld.idx.msk [tilespmem:v1+s11+$0x0], $0xffff  }
0x34: {  	v5 =	vld.idx.msk [tilespmem:v0+s11+$0x0], $0xffff  }
0x35: {  	v6 =	vld.idx.msk [tilespmem:v1+s12+$0x0], $0xffff  }
0x36: {  	v7 =	vld.idx.msk [tilespmem:v0+s12+$0x0], $0xffff;
	_ =	sdelay $0x2  }
.Ltmp0:
0x37: {  	(pc) =	sbr.rel @p0 .LBB2_2-.Ltmp0, $4  }
0x38: {  	s18 =	sshra.s32 s19, $0x2;
	v3 =	vsub.f32 v3, v2;
	v4 =	vsub.f32 v4, v5  }
0x39: {  	v0 =	vld [tilespmem:s18+$0x7680]  }
0x3a: {  	v3 =	vmul.f32 v3, v3;
	v2 =	vsub.f32 v6, v7;
	v4 =	vmul.f32 v4, v4;
	v1 =	vld [tilespmem:s18+$0x9E00]  }
0x3b: {  	s19 =	sadd.s32 $0x40, s19  }
0x3c: {  	_ = 	snop  }
0x3d: {  	v3 =	vadd.f32 v4, v3;
	v2 =	vmul.f32 v2, v2;
	_ =	sdelay $0x1  }
0x3e: {  	v2 =	vadd.f32 v2, v3;
	_ =	sdelay $0x1  }
0x3f: {  	[tilespmem:s17+$0xC580] =	vst v2  }
0x40: {  	v2 =	vld.idx.msk [tilespmem:v0+s5+$0x0], $0xffff  }
0x41: {  	v57 =	vld.idx.msk [tilespmem:v1+s5+$0x0], $0xffff  }
0x42: {  	v58 =	vld.idx.msk [tilespmem:v1+s11+$0x0], $0xffff  }
0x43: {  	v5 =	vld.idx.msk [tilespmem:v0+s11+$0x0], $0xffff  }
0x44: {  	v59 =	vld.idx.msk [tilespmem:v1+s12+$0x0], $0xffff  }
0x45: {  	v60 =	vld.idx.msk [tilespmem:v0+s12+$0x0], $0xffff;
	_ =	sdelay $0x2  }
0x46: {  	v2 =	vsub.f32 v57, v2;
	v61 =	vsub.f32 v58, v5;
	_ =	sdelay $0x1  }
0x47: {  	v0 =	vsub.f32 v59, v60;
	v62 =	vmul.f32 v2, v2;
	v63 =	vmul.f32 v61, v61;
	_ =	sdelay $0x1  }
0x48: {  	v0 =	vmul.f32 v0, v0;
	v1 =	vadd.f32 v63, v62;
	_ =	sdelay $0x1  }
0x49: {  	s16 =	sadd.s32 $0x1, s16;
	v0 =	vadd.f32 v0, v1  }
0x4a: {  	p0 =	sne.s32 s16, s9  }
.Ltmp1:
0x4b: {  	[tilespmem:s18+$0xC580] =	vst v0;
	(pc) =	sbr.rel @p0 .LBB2_1-.Ltmp1, $4  }
0x4c: {  	[hbm4b:s8+s5] =	stream.linear.scatter [tilespmem:s15], [sflag:$0x1], $0x2710, $0x38;
	[tilespmem:$0xED00] =	vst v63  }
0x4d: {  	_ =	swait.ge [sflag:s10], $0x2710  }
0x4e: {  	[sflag:s10] =	ssyncset.done $0x0  }
0x4f: {  	[sflag:s10] =	ssyncadd.s32 $0xFFFFD8F0  }
0x50: {  	_ =	sfence.sel $0x180000  }
0x51: {  	[bflag:$0x0] =	sbarrier.arrive $0xFFFF  }
0x52: {  	p0 =	sne.s32 s2, $0x0;
	_ =	strace $0x90000047  }
0x53: {  	s0 =	sadd.s32 @!p0 $0x100000, s4;
	[bflag:$0x2] =	sbarrier.arrive $0xFFFF  }
0x54: {  	[sflag:s0] =	ssyncadd.tile.s32 @!p0 $0x1;
	_ =	shalt  }
.Lfunc_end2:
_tile_overlayer_lowered:
.L_overlay_start_2:
0x55: {  	(tag) =	ssettag $0x2  }
0x56: {  	s0 =	rddreg [dreg:$0x0];
	s2 =	stileid.u32  }
0x57: {  	s1 =	rddreg [dreg:$0x1];
	p0 =	sne.s32 s2, $0x0  }
0x58: {  	s3 =	rddreg [dreg:$0x2];
	[bflag:$0x3] =	sbarrier.arrive $0xFFFF;
	s2 =	simm.s32 @!p0 $0x1C01  }
0x59: {  	[timem:s3], [sflag:s2] =	dma.local @!p0 [hbm:s0], s1  }
0x5a: {  	s0 =	simm.s32 @!p0 $0x1  }
0x5b: {  	_ =	swait.ge @!p0 [sflag:s0], s1  }
0x5c: {  	s1 =	ssub.s32 @!p0 $0x0, s1;
	[sflag:s0] =	ssyncset.done @!p0 $0x0  }
0x5d: {  	[sflag:s0] =	ssyncadd.s32 @!p0 s1  }
0x5e: {  	[bflag:$0x3] =	sbarrier.arrive $0xFFFF  }
0x5f: {  	_ =	shalt  }

</sc_bundles>
